<compile_context>
chip_gen: v7x
topology: tpu7x:2x2x1
jax: 0.10.2.dev20260603
libtpu: 0.0.44.dev20260713+nightly
codegen_flags: <defaults>
</compile_context>

<pallas_src>
import functools

import jax
from jax import lax
from jax.experimental import pallas as pl
from jax.experimental.pallas import tpu as pltpu
from jax.experimental.pallas import tpu_sc as plsc

_GRID = 10
_CHUNKS = 10


def _xu_body(x_ref, u_ref, xo_ref, uo_ref):
    xo_ref[...] = x_ref[...]
    uo_ref[...] = u_ref[...]


def _copy_xu(x, u):
    n_x = x.shape[0] // _GRID
    xs = pl.BlockSpec((n_x, x.shape[1]), lambda i: (i, 0))
    us = pl.BlockSpec(u.shape, lambda i: (0, 0))
    return pl.pallas_call(
        _xu_body,
        grid=(_GRID,),
        out_shape=(
            jax.ShapeDtypeStruct(x.shape, x.dtype),
            jax.ShapeDtypeStruct(u.shape, u.dtype),
        ),
        in_specs=[xs, us],
        out_specs=(xs, us),
    )(x, u)


def _copy_ea(edge_attr):
    info = plsc.get_sparse_core_info()
    n_workers = info.num_cores * info.num_subcores
    rows_w = edge_attr.shape[0] // n_workers
    rows_c = rows_w // _CHUNKS
    mesh = plsc.VectorSubcoreMesh(core_axis_name="c", subcore_axis_name="s")

    @functools.partial(
        pl.kernel,
        mesh=mesh,
        out_type=jax.ShapeDtypeStruct(edge_attr.shape, edge_attr.dtype),
        scratch_types=[
            pltpu.VMEM((rows_c, edge_attr.shape[1]), edge_attr.dtype),
        ],
        compiler_params=pltpu.CompilerParams(use_tc_tiling_on_sc=False),
    )
    def _ea_kernel(ea_hbm, out_hbm, buf):
        wid = lax.axis_index("s") * info.num_cores + lax.axis_index("c")
        base = wid * rows_w
        for k in range(_CHUNKS):
            start = pl.multiple_of(base + k * rows_c, 8)
            pltpu.sync_copy(ea_hbm.at[pl.ds(start, rows_c), :], buf)
            pltpu.sync_copy(buf, out_hbm.at[pl.ds(start, rows_c), :])

    return _ea_kernel(edge_attr)


def kernel(x, edge_index, edge_attr, u, batch, queries, num_props):
    xo, uo = _copy_xu(x, u)
    eao = _copy_ea(edge_attr)
    return (xo, eao, uo)

# --- scband reference (transcript-rebuilt; emitter-appended) ---
"""Pipeline reference for scband-my-meta-layer-14542759264800 (READ-ONLY COPY).

The authoritative reference and input builder live on the scoring server;
editing this copy changes nothing except your own understanding.
"""

import jax, jax.numpy as jnp
import numpy as np


def setup_inputs(seed: int = 0) -> dict:
    key = jax.random.key(seed)
    k_x, k_ei, k_ea, k_u, k_b = jax.random.split(key, 5)
    N, E, F_x, F_e, B, F_u = 10000, 320000, 128, 16, 16, 64
    x = jax.random.normal(k_x, (N, F_x), dtype=jnp.float32)
    edge_index = jax.random.randint(k_ei, (2, E), 0, N, dtype=jnp.int32)
    edge_attr = jax.random.normal(k_ea, (E, F_e), dtype=jnp.float32)
    u = jax.random.normal(k_u, (B, F_u), dtype=jnp.float32)
    batch = jnp.sort(jax.random.randint(k_b, (N,), 0, B, dtype=jnp.int32))
    queries = jnp.zeros((1,), dtype=jnp.float32)
    num_props = jnp.zeros((), dtype=jnp.int32)
    return {"x": x, "edge_index": edge_index, "edge_attr": edge_attr, "u": u, "batch": batch, "queries": queries, "num_props": num_props}


def reference(x, edge_index, edge_attr=None, u=None, batch=None, queries=None, num_props=None):
    # MyMetaLayer instantiated with edge_model=None, node_model=None, global_model=None.
    # forward() computes row/col but skips every update branch, so the output graph
    # is returned with unchanged features: (x, edge_attr, u).
    row = edge_index[0]
    col = edge_index[1]
    # edge_model is None -> edge_attr unchanged
    # node_model is None -> x unchanged
    # global_model is None -> u unchanged
    return (x, edge_attr, u)

if __name__ == "__main__":
    import jax
    _d = setup_inputs()
    print(jax.jit(kernel)(*tuple(_d.values())))

</pallas_src>

<mosaic_0001>
#map = affine_map<(d0, d1) -> (0, 0)>
module attributes {stable_mosaic.version = 14 : i64} {
  func.func @_ea_kernel(%arg0: i32, %arg1: i32, %arg2: memref<320000x16xf32, #tpu.memory_space<hbm>>, %arg3: memref<320000x16xf32, #tpu.memory_space<hbm>>, %arg4: memref<1000x16xf32, #tpu.memory_space<vmem>>) attributes {dimension_semantics = [#tpu.dimension_semantics<core_parallel>, #tpu.dimension_semantics<subcore_parallel>], iteration_bounds = array<i64: 2, 16>, scalar_prefetch = 0 : i64, scratch_operands = 1 : i64, tpu.core_type = #tpu.core_type<sc_vector_subcore>, window_params = [{transform_indices = #map}, {transform_indices = #map}]} {
    %mul3A = arith.constant 2 : i32
    %mul3A_0 = arith.muli %arg1, %mul3A : i32
    %add3A = arith.addi %mul3A_0, %arg0 : i32
    %mul3A_1 = arith.constant 10000 : i32
    %mul3A_2 = arith.muli %add3A, %mul3A_1 : i32
    %add3A_3 = arith.constant 0 : i32
    %add3A_4 = arith.addi %mul3A_2, %add3A_3 : i32
    %multiple_of3A = tpu.assume_multiple %add3A_4, 8 : i32
    "tpu.region"() ({
      %run_scoped3A = tpu.sem_alloc : memref<!tpu.dma_semaphore, #tpu.memory_space<semaphore_mem>>
      %dma_start3A = arith.constant 0 : i32
      %dma_start3A_32 = tpu.memref_slice %arg2[%multiple_of3A, %dma_start3A] : memref<320000x16xf32, #tpu.memory_space<hbm>> -> memref<1000x16xf32, #tpu.memory_space<hbm>>
      %dma_start3A_33 = arith.constant 0 : i32
      %dma_start3A_34 = tpu.memref_slice %arg2[%multiple_of3A, %dma_start3A_33] : memref<320000x16xf32, #tpu.memory_space<hbm>> -> memref<1000x16xf32, #tpu.memory_space<hbm>>
      tpu.enqueue_dma source(%dma_start3A_34 : memref<1000x16xf32, #tpu.memory_space<hbm>>) target(%arg4 : memref<1000x16xf32, #tpu.memory_space<vmem>>) target_semaphore(%run_scoped3A : memref<!tpu.dma_semaphore, #tpu.memory_space<semaphore_mem>>)
      %dma_wait3A = arith.constant 0 : i32
      %dma_wait3A_35 = tpu.memref_slice %arg2[%multiple_of3A, %dma_wait3A] : memref<320000x16xf32, #tpu.memory_space<hbm>> -> memref<1000x16xf32, #tpu.memory_space<hbm>>
      %dma_wait3A_36 = arith.constant 0 : i32
      %dma_wait3A_37 = tpu.memref_slice %arg2[%multiple_of3A, %dma_wait3A_36] : memref<320000x16xf32, #tpu.memory_space<hbm>> -> memref<1000x16xf32, #tpu.memory_space<hbm>>
      tpu.wait_dma2 semaphore(%run_scoped3A : memref<!tpu.dma_semaphore, #tpu.memory_space<semaphore_mem>>) src(%dma_wait3A_37 : memref<1000x16xf32, #tpu.memory_space<hbm>>) dst(%arg4 : memref<1000x16xf32, #tpu.memory_space<vmem>>)
      tpu.yield
    }) : () -> ()
    "tpu.region"() ({
      %run_scoped3A = tpu.sem_alloc : memref<!tpu.dma_semaphore, #tpu.memory_space<semaphore_mem>>
      %dma_start3A = arith.constant 0 : i32
      %dma_start3A_32 = tpu.memref_slice %arg3[%multiple_of3A, %dma_start3A] : memref<320000x16xf32, #tpu.memory_space<hbm>> -> memref<1000x16xf32, #tpu.memory_space<hbm>>
      %dma_start3A_33 = arith.constant 0 : i32
      %dma_start3A_34 = tpu.memref_slice %arg3[%multiple_of3A, %dma_start3A_33] : memref<320000x16xf32, #tpu.memory_space<hbm>> -> memref<1000x16xf32, #tpu.memory_space<hbm>>
      tpu.enqueue_dma source(%arg4 : memref<1000x16xf32, #tpu.memory_space<vmem>>) target(%dma_start3A_34 : memref<1000x16xf32, #tpu.memory_space<hbm>>) target_semaphore(%run_scoped3A : memref<!tpu.dma_semaphore, #tpu.memory_space<semaphore_mem>>)
      %dma_wait3A = arith.constant 0 : i32
      %dma_wait3A_35 = tpu.memref_slice %arg3[%multiple_of3A, %dma_wait3A] : memref<320000x16xf32, #tpu.memory_space<hbm>> -> memref<1000x16xf32, #tpu.memory_space<hbm>>
      %dma_wait3A_36 = arith.constant 0 : i32
      %dma_wait3A_37 = tpu.memref_slice %arg3[%multiple_of3A, %dma_wait3A_36] : memref<320000x16xf32, #tpu.memory_space<hbm>> -> memref<1000x16xf32, #tpu.memory_space<hbm>>
      tpu.wait_dma2 semaphore(%run_scoped3A : memref<!tpu.dma_semaphore, #tpu.memory_space<semaphore_mem>>) src(%arg4 : memref<1000x16xf32, #tpu.memory_space<vmem>>) dst(%dma_wait3A_37 : memref<1000x16xf32, #tpu.memory_space<hbm>>)
      tpu.yield
    }) : () -> ()
    %add3A_5 = arith.constant 1000 : i32
    %add3A_6 = arith.addi %mul3A_2, %add3A_5 : i32
    %multiple_of3A_7 = tpu.assume_multiple %add3A_6, 8 : i32
    "tpu.region"() ({
      %run_scoped3A = tpu.sem_alloc : memref<!tpu.dma_semaphore, #tpu.memory_space<semaphore_mem>>
      %dma_start3A = arith.constant 0 : i32
      %dma_start3A_32 = tpu.memref_slice %arg2[%multiple_of3A_7, %dma_start3A] : memref<320000x16xf32, #tpu.memory_space<hbm>> -> memref<1000x16xf32, #tpu.memory_space<hbm>>
      %dma_start3A_33 = arith.constant 0 : i32
      %dma_start3A_34 = tpu.memref_slice %arg2[%multiple_of3A_7, %dma_start3A_33] : memref<320000x16xf32, #tpu.memory_space<hbm>> -> memref<1000x16xf32, #tpu.memory_space<hbm>>
      tpu.enqueue_dma source(%dma_start3A_34 : memref<1000x16xf32, #tpu.memory_space<hbm>>) target(%arg4 : memref<1000x16xf32, #tpu.memory_space<vmem>>) target_semaphore(%run_scoped3A : memref<!tpu.dma_semaphore, #tpu.memory_space<semaphore_mem>>)
      %dma_wait3A = arith.constant 0 : i32
      %dma_wait3A_35 = tpu.memref_slice %arg2[%multiple_of3A_7, %dma_wait3A] : memref<320000x16xf32, #tpu.memory_space<hbm>> -> memref<1000x16xf32, #tpu.memory_space<hbm>>
      %dma_wait3A_36 = arith.constant 0 : i32
      %dma_wait3A_37 = tpu.memref_slice %arg2[%multiple_of3A_7, %dma_wait3A_36] : memref<320000x16xf32, #tpu.memory_space<hbm>> -> memref<1000x16xf32, #tpu.memory_space<hbm>>
      tpu.wait_dma2 semaphore(%run_scoped3A : memref<!tpu.dma_semaphore, #tpu.memory_space<semaphore_mem>>) src(%dma_wait3A_37 : memref<1000x16xf32, #tpu.memory_space<hbm>>) dst(%arg4 : memref<1000x16xf32, #tpu.memory_space<vmem>>)
      tpu.yield
    }) : () -> ()
    "tpu.region"() ({
      %run_scoped3A = tpu.sem_alloc : memref<!tpu.dma_semaphore, #tpu.memory_space<semaphore_mem>>
      %dma_start3A = arith.constant 0 : i32
      %dma_start3A_32 = tpu.memref_slice %arg3[%multiple_of3A_7, %dma_start3A] : memref<320000x16xf32, #tpu.memory_space<hbm>> -> memref<1000x16xf32, #tpu.memory_space<hbm>>
      %dma_start3A_33 = arith.constant 0 : i32
      %dma_start3A_34 = tpu.memref_slice %arg3[%multiple_of3A_7, %dma_start3A_33] : memref<320000x16xf32, #tpu.memory_space<hbm>> -> memref<1000x16xf32, #tpu.memory_space<hbm>>
      tpu.enqueue_dma source(%arg4 : memref<1000x16xf32, #tpu.memory_space<vmem>>) target(%dma_start3A_34 : memref<1000x16xf32, #tpu.memory_space<hbm>>) target_semaphore(%run_scoped3A : memref<!tpu.dma_semaphore, #tpu.memory_space<semaphore_mem>>)
      %dma_wait3A = arith.constant 0 : i32
      %dma_wait3A_35 = tpu.memref_slice %arg3[%multiple_of3A_7, %dma_wait3A] : memref<320000x16xf32, #tpu.memory_space<hbm>> -> memref<1000x16xf32, #tpu.memory_space<hbm>>
      %dma_wait3A_36 = arith.constant 0 : i32
      %dma_wait3A_37 = tpu.memref_slice %arg3[%multiple_of3A_7, %dma_wait3A_36] : memref<320000x16xf32, #tpu.memory_space<hbm>> -> memref<1000x16xf32, #tpu.memory_space<hbm>>
      tpu.wait_dma2 semaphore(%run_scoped3A : memref<!tpu.dma_semaphore, #tpu.memory_space<semaphore_mem>>) src(%arg4 : memref<1000x16xf32, #tpu.memory_space<vmem>>) dst(%dma_wait3A_37 : memref<1000x16xf32, #tpu.memory_space<hbm>>)
      tpu.yield
    }) : () -> ()
    %add3A_8 = arith.constant 2000 : i32
    %add3A_9 = arith.addi %mul3A_2, %add3A_8 : i32
    %multiple_of3A_10 = tpu.assume_multiple %add3A_9, 8 : i32
    "tpu.region"() ({
      %run_scoped3A = tpu.sem_alloc : memref<!tpu.dma_semaphore, #tpu.memory_space<semaphore_mem>>
      %dma_start3A = arith.constant 0 : i32
      %dma_start3A_32 = tpu.memref_slice %arg2[%multiple_of3A_10, %dma_start3A] : memref<320000x16xf32, #tpu.memory_space<hbm>> -> memref<1000x16xf32, #tpu.memory_space<hbm>>
      %dma_start3A_33 = arith.constant 0 : i32
      %dma_start3A_34 = tpu.memref_slice %arg2[%multiple_of3A_10, %dma_start3A_33] : memref<320000x16xf32, #tpu.memory_space<hbm>> -> memref<1000x16xf32, #tpu.memory_space<hbm>>
      tpu.enqueue_dma source(%dma_start3A_34 : memref<1000x16xf32, #tpu.memory_space<hbm>>) target(%arg4 : memref<1000x16xf32, #tpu.memory_space<vmem>>) target_semaphore(%run_scoped3A : memref<!tpu.dma_semaphore, #tpu.memory_space<semaphore_mem>>)
      %dma_wait3A = arith.constant 0 : i32
      %dma_wait3A_35 = tpu.memref_slice %arg2[%multiple_of3A_10, %dma_wait3A] : memref<320000x16xf32, #tpu.memory_space<hbm>> -> memref<1000x16xf32, #tpu.memory_space<hbm>>
      %dma_wait3A_36 = arith.constant 0 : i32
      %dma_wait3A_37 = tpu.memref_slice %arg2[%multiple_of3A_10, %dma_wait3A_36] : memref<320000x16xf32, #tpu.memory_space<hbm>> -> memref<1000x16xf32, #tpu.memory_space<hbm>>
      tpu.wait_dma2 semaphore(%run_scoped3A : memref<!tpu.dma_semaphore, #tpu.memory_space<semaphore_mem>>) src(%dma_wait3A_37 : memref<1000x16xf32, #tpu.memory_space<hbm>>) dst(%arg4 : memref<1000x16xf32, #tpu.memory_space<vmem>>)
      tpu.yield
    }) : () -> ()
    "tpu.region"() ({
      %run_scoped3A = tpu.sem_alloc : memref<!tpu.dma_semaphore, #tpu.memory_space<semaphore_mem>>
      %dma_start3A = arith.constant 0 : i32
      %dma_start3A_32 = tpu.memref_slice %arg3[%multiple_of3A_10, %dma_start3A] : memref<320000x16xf32, #tpu.memory_space<hbm>> -> memref<1000x16xf32, #tpu.memory_space<hbm>>
      %dma_start3A_33 = arith.constant 0 : i32
      %dma_start3A_34 = tpu.memref_slice %arg3[%multiple_of3A_10, %dma_start3A_33] : memref<320000x16xf32, #tpu.memory_space<hbm>> -> memref<1000x16xf32, #tpu.memory_space<hbm>>
      tpu.enqueue_dma source(%arg4 : memref<1000x16xf32, #tpu.memory_space<vmem>>) target(%dma_start3A_34 : memref<1000x16xf32, #tpu.memory_space<hbm>>) target_semaphore(%run_scoped3A : memref<!tpu.dma_semaphore, #tpu.memory_space<semaphore_mem>>)
      %dma_wait3A = arith.constant 0 : i32
      %dma_wait3A_35 = tpu.memref_slice %arg3[%multiple_of3A_10, %dma_wait3A] : memref<320000x16xf32, #tpu.memory_space<hbm>> -> memref<1000x16xf32, #tpu.memory_space<hbm>>
      %dma_wait3A_36 = arith.constant 0 : i32
      %dma_wait3A_37 = tpu.memref_slice %arg3[%multiple_of3A_10, %dma_wait3A_36] : memref<320000x16xf32, #tpu.memory_space<hbm>> -> memref<1000x16xf32, #tpu.memory_space<hbm>>
      tpu.wait_dma2 semaphore(%run_scoped3A : memref<!tpu.dma_semaphore, #tpu.memory_space<semaphore_mem>>) src(%arg4 : memref<1000x16xf32, #tpu.memory_space<vmem>>) dst(%dma_wait3A_37 : memref<1000x16xf32, #tpu.memory_space<hbm>>)
      tpu.yield
    }) : () -> ()
    %add3A_11 = arith.constant 3000 : i32
    %add3A_12 = arith.addi %mul3A_2, %add3A_11 : i32
    %multiple_of3A_13 = tpu.assume_multiple %add3A_12, 8 : i32
    "tpu.region"() ({
      %run_scoped3A = tpu.sem_alloc : memref<!tpu.dma_semaphore, #tpu.memory_space<semaphore_mem>>
      %dma_start3A = arith.constant 0 : i32
      %dma_start3A_32 = tpu.memref_slice %arg2[%multiple_of3A_13, %dma_start3A] : memref<320000x16xf32, #tpu.memory_space<hbm>> -> memref<1000x16xf32, #tpu.memory_space<hbm>>
      %dma_start3A_33 = arith.constant 0 : i32
      %dma_start3A_34 = tpu.memref_slice %arg2[%multiple_of3A_13, %dma_start3A_33] : memref<320000x16xf32, #tpu.memory_space<hbm>> -> memref<1000x16xf32, #tpu.memory_space<hbm>>
      tpu.enqueue_dma source(%dma_start3A_34 : memref<1000x16xf32, #tpu.memory_space<hbm>>) target(%arg4 : memref<1000x16xf32, #tpu.memory_space<vmem>>) target_semaphore(%run_scoped3A : memref<!tpu.dma_semaphore, #tpu.memory_space<semaphore_mem>>)
      %dma_wait3A = arith.constant 0 : i32
      %dma_wait3A_35 = tpu.memref_slice %arg2[%multiple_of3A_13, %dma_wait3A] : memref<320000x16xf32, #tpu.memory_space<hbm>> -> memref<1000x16xf32, #tpu.memory_space<hbm>>
      %dma_wait3A_36 = arith.constant 0 : i32
      %dma_wait3A_37 = tpu.memref_slice %arg2[%multiple_of3A_13, %dma_wait3A_36] : memref<320000x16xf32, #tpu.memory_space<hbm>> -> memref<1000x16xf32, #tpu.memory_space<hbm>>
      tpu.wait_dma2 semaphore(%run_scoped3A : memref<!tpu.dma_semaphore, #tpu.memory_space<semaphore_mem>>) src(%dma_wait3A_37 : memref<1000x16xf32, #tpu.memory_space<hbm>>) dst(%arg4 : memref<1000x16xf32, #tpu.memory_space<vmem>>)
      tpu.yield
    }) : () -> ()
    "tpu.region"() ({
      %run_scoped3A = tpu.sem_alloc : memref<!tpu.dma_semaphore, #tpu.memory_space<semaphore_mem>>
      %dma_start3A = arith.constant 0 : i32
      %dma_start3A_32 = tpu.memref_slice %arg3[%multiple_of3A_13, %dma_start3A] : memref<320000x16xf32, #tpu.memory_space<hbm>> -> memref<1000x16xf32, #tpu.memory_space<hbm>>
      %dma_start3A_33 = arith.constant 0 : i32
      %dma_start3A_34 = tpu.memref_slice %arg3[%multiple_of3A_13, %dma_start3A_33] : memref<320000x16xf32, #tpu.memory_space<hbm>> -> memref<1000x16xf32, #tpu.memory_space<hbm>>
      tpu.enqueue_dma source(%arg4 : memref<1000x16xf32, #tpu.memory_space<vmem>>) target(%dma_start3A_34 : memref<1000x16xf32, #tpu.memory_space<hbm>>) target_semaphore(%run_scoped3A : memref<!tpu.dma_semaphore, #tpu.memory_space<semaphore_mem>>)
      %dma_wait3A = arith.constant 0 : i32
      %dma_wait3A_35 = tpu.memref_slice %arg3[%multiple_of3A_13, %dma_wait3A] : memref<320000x16xf32, #tpu.memory_space<hbm>> -> memref<1000x16xf32, #tpu.memory_space<hbm>>
      %dma_wait3A_36 = arith.constant 0 : i32
      %dma_wait3A_37 = tpu.memref_slice %arg3[%multiple_of3A_13, %dma_wait3A_36] : memref<320000x16xf32, #tpu.memory_space<hbm>> -> memref<1000x16xf32, #tpu.memory_space<hbm>>
      tpu.wait_dma2 semaphore(%run_scoped3A : memref<!tpu.dma_semaphore, #tpu.memory_space<semaphore_mem>>) src(%arg4 : memref<1000x16xf32, #tpu.memory_space<vmem>>) dst(%dma_wait3A_37 : memref<1000x16xf32, #tpu.memory_space<hbm>>)
      tpu.yield
    }) : () -> ()
    %add3A_14 = arith.constant 4000 : i32
    %add3A_15 = arith.addi %mul3A_2, %add3A_14 : i32
    %multiple_of3A_16 = tpu.assume_multiple %add3A_15, 8 : i32
    "tpu.region"() ({
      %run_scoped3A = tpu.sem_alloc : memref<!tpu.dma_semaphore, #tpu.memory_space<semaphore_mem>>
      %dma_start3A = arith.constant 0 : i32
      %dma_start3A_32 = tpu.memref_slice %arg2[%multiple_of3A_16, %dma_start3A] : memref<320000x16xf32, #tpu.memory_space<hbm>> -> memref<1000x16xf32, #tpu.memory_space<hbm>>
      %dma_start3A_33 = arith.constant 0 : i32
      %dma_start3A_34 = tpu.memref_slice %arg2[%multiple_of3A_16, %dma_start3A_33] : memref<320000x16xf32, #tpu.memory_space<hbm>> -> memref<1000x16xf32, #tpu.memory_space<hbm>>
      tpu.enqueue_dma source(%dma_start3A_34 : memref<1000x16xf32, #tpu.memory_space<hbm>>) target(%arg4 : memref<1000x16xf32, #tpu.memory_space<vmem>>) target_semaphore(%run_scoped3A : memref<!tpu.dma_semaphore, #tpu.memory_space<semaphore_mem>>)
      %dma_wait3A = arith.constant 0 : i32
      %dma_wait3A_35 = tpu.memref_slice %arg2[%multiple_of3A_16, %dma_wait3A] : memref<320000x16xf32, #tpu.memory_space<hbm>> -> memref<1000x16xf32, #tpu.memory_space<hbm>>
      %dma_wait3A_36 = arith.constant 0 : i32
      %dma_wait3A_37 = tpu.memref_slice %arg2[%multiple_of3A_16, %dma_wait3A_36] : memref<320000x16xf32, #tpu.memory_space<hbm>> -> memref<1000x16xf32, #tpu.memory_space<hbm>>
      tpu.wait_dma2 semaphore(%run_scoped3A : memref<!tpu.dma_semaphore, #tpu.memory_space<semaphore_mem>>) src(%dma_wait3A_37 : memref<1000x16xf32, #tpu.memory_space<hbm>>) dst(%arg4 : memref<1000x16xf32, #tpu.memory_space<vmem>>)
      tpu.yield
    }) : () -> ()
    "tpu.region"() ({
      %run_scoped3A = tpu.sem_alloc : memref<!tpu.dma_semaphore, #tpu.memory_space<semaphore_mem>>
      %dma_start3A = arith.constant 0 : i32
      %dma_start3A_32 = tpu.memref_slice %arg3[%multiple_of3A_16, %dma_start3A] : memref<320000x16xf32, #tpu.memory_space<hbm>> -> memref<1000x16xf32, #tpu.memory_space<hbm>>
      %dma_start3A_33 = arith.constant 0 : i32
      %dma_start3A_34 = tpu.memref_slice %arg3[%multiple_of3A_16, %dma_start3A_33] : memref<320000x16xf32, #tpu.memory_space<hbm>> -> memref<1000x16xf32, #tpu.memory_space<hbm>>
      tpu.enqueue_dma source(%arg4 : memref<1000x16xf32, #tpu.memory_space<vmem>>) target(%dma_start3A_34 : memref<1000x16xf32, #tpu.memory_space<hbm>>) target_semaphore(%run_scoped3A : memref<!tpu.dma_semaphore, #tpu.memory_space<semaphore_mem>>)
      %dma_wait3A = arith.constant 0 : i32
      %dma_wait3A_35 = tpu.memref_slice %arg3[%multiple_of3A_16, %dma_wait3A] : memref<320000x16xf32, #tpu.memory_space<hbm>> -> memref<1000x16xf32, #tpu.memory_space<hbm>>
      %dma_wait3A_36 = arith.constant 0 : i32
      %dma_wait3A_37 = tpu.memref_slice %arg3[%multiple_of3A_16, %dma_wait3A_36] : memref<320000x16xf32, #tpu.memory_space<hbm>> -> memref<1000x16xf32, #tpu.memory_space<hbm>>
      tpu.wait_dma2 semaphore(%run_scoped3A : memref<!tpu.dma_semaphore, #tpu.memory_space<semaphore_mem>>) src(%arg4 : memref<1000x16xf32, #tpu.memory_space<vmem>>) dst(%dma_wait3A_37 : memref<1000x16xf32, #tpu.memory_space<hbm>>)
      tpu.yield
    }) : () -> ()
    %add3A_17 = arith.constant 5000 : i32
    %add3A_18 = arith.addi %mul3A_2, %add3A_17 : i32
    %multiple_of3A_19 = tpu.assume_multiple %add3A_18, 8 : i32
    "tpu.region"() ({
      %run_scoped3A = tpu.sem_alloc : memref<!tpu.dma_semaphore, #tpu.memory_space<semaphore_mem>>
      %dma_start3A = arith.constant 0 : i32
      %dma_start3A_32 = tpu.memref_slice %arg2[%multiple_of3A_19, %dma_start3A] : memref<320000x16xf32, #tpu.memory_space<hbm>> -> memref<1000x16xf32, #tpu.memory_space<hbm>>
      %dma_start3A_33 = arith.constant 0 : i32
      %dma_start3A_34 = tpu.memref_slice %arg2[%multiple_of3A_19, %dma_start3A_33] : memref<320000x16xf32, #tpu.memory_space<hbm>> -> memref<1000x16xf32, #tpu.memory_space<hbm>>
      tpu.enqueue_dma source(%dma_start3A_34 : memref<1000x16xf32, #tpu.memory_space<hbm>>) target(%arg4 : memref<1000x16xf32, #tpu.memory_space<vmem>>) target_semaphore(%run_scoped3A : memref<!tpu.dma_semaphore, #tpu.memory_space<semaphore_mem>>)
      %dma_wait3A = arith.constant 0 : i32
      %dma_wait3A_35 = tpu.memref_slice %arg2[%multiple_of3A_19, %dma_wait3A] : memref<320000x16xf32, #tpu.memory_space<hbm>> -> memref<1000x16xf32, #tpu.memory_space<hbm>>
      %dma_wait3A_36 = arith.constant 0 : i32
      %dma_wait3A_37 = tpu.memref_slice %arg2[%multiple_of3A_19, %dma_wait3A_36] : memref<320000x16xf32, #tpu.memory_space<hbm>> -> memref<1000x16xf32, #tpu.memory_space<hbm>>
      tpu.wait_dma2 semaphore(%run_scoped3A : memref<!tpu.dma_semaphore, #tpu.memory_space<semaphore_mem>>) src(%dma_wait3A_37 : memref<1000x16xf32, #tpu.memory_space<hbm>>) dst(%arg4 : memref<1000x16xf32, #tpu.memory_space<vmem>>)
      tpu.yield
    }) : () -> ()
    "tpu.region"() ({
      %run_scoped3A = tpu.sem_alloc : memref<!tpu.dma_semaphore, #tpu.memory_space<semaphore_mem>>
      %dma_start3A = arith.constant 0 : i32
      %dma_start3A_32 = tpu.memref_slice %arg3[%multiple_of3A_19, %dma_start3A] : memref<320000x16xf32, #tpu.memory_space<hbm>> -> memref<1000x16xf32, #tpu.memory_space<hbm>>
      %dma_start3A_33 = arith.constant 0 : i32
      %dma_start3A_34 = tpu.memref_slice %arg3[%multiple_of3A_19, %dma_start3A_33] : memref<320000x16xf32, #tpu.memory_space<hbm>> -> memref<1000x16xf32, #tpu.memory_space<hbm>>
      tpu.enqueue_dma source(%arg4 : memref<1000x16xf32, #tpu.memory_space<vmem>>) target(%dma_start3A_34 : memref<1000x16xf32, #tpu.memory_space<hbm>>) target_semaphore(%run_scoped3A : memref<!tpu.dma_semaphore, #tpu.memory_space<semaphore_mem>>)
      %dma_wait3A = arith.constant 0 : i32
      %dma_wait3A_35 = tpu.memref_slice %arg3[%multiple_of3A_19, %dma_wait3A] : memref<320000x16xf32, #tpu.memory_space<hbm>> -> memref<1000x16xf32, #tpu.memory_space<hbm>>
      %dma_wait3A_36 = arith.constant 0 : i32
      %dma_wait3A_37 = tpu.memref_slice %arg3[%multiple_of3A_19, %dma_wait3A_36] : memref<320000x16xf32, #tpu.memory_space<hbm>> -> memref<1000x16xf32, #tpu.memory_space<hbm>>
      tpu.wait_dma2 semaphore(%run_scoped3A : memref<!tpu.dma_semaphore, #tpu.memory_space<semaphore_mem>>) src(%arg4 : memref<1000x16xf32, #tpu.memory_space<vmem>>) dst(%dma_wait3A_37 : memref<1000x16xf32, #tpu.memory_space<hbm>>)
      tpu.yield
    }) : () -> ()
    %add3A_20 = arith.constant 6000 : i32
    %add3A_21 = arith.addi %mul3A_2, %add3A_20 : i32
    %multiple_of3A_22 = tpu.assume_multiple %add3A_21, 8 : i32
    "tpu.region"() ({
      %run_scoped3A = tpu.sem_alloc : memref<!tpu.dma_semaphore, #tpu.memory_space<semaphore_mem>>
      %dma_start3A = arith.constant 0 : i32
      %dma_start3A_32 = tpu.memref_slice %arg2[%multiple_of3A_22, %dma_start3A] : memref<320000x16xf32, #tpu.memory_space<hbm>> -> memref<1000x16xf32, #tpu.memory_space<hbm>>
      %dma_start3A_33 = arith.constant 0 : i32
      %dma_start3A_34 = tpu.memref_slice %arg2[%multiple_of3A_22, %dma_start3A_33] : memref<320000x16xf32, #tpu.memory_space<hbm>> -> memref<1000x16xf32, #tpu.memory_space<hbm>>
      tpu.enqueue_dma source(%dma_start3A_34 : memref<1000x16xf32, #tpu.memory_space<hbm>>) target(%arg4 : memref<1000x16xf32, #tpu.memory_space<vmem>>) target_semaphore(%run_scoped3A : memref<!tpu.dma_semaphore, #tpu.memory_space<semaphore_mem>>)
      %dma_wait3A = arith.constant 0 : i32
      %dma_wait3A_35 = tpu.memref_slice %arg2[%multiple_of3A_22, %dma_wait3A] : memref<320000x16xf32, #tpu.memory_space<hbm>> -> memref<1000x16xf32, #tpu.memory_space<hbm>>
      %dma_wait3A_36 = arith.constant 0 : i32
      %dma_wait3A_37 = tpu.memref_slice %arg2[%multiple_of3A_22, %dma_wait3A_36] : memref<320000x16xf32, #tpu.memory_space<hbm>> -> memref<1000x16xf32, #tpu.memory_space<hbm>>
      tpu.wait_dma2 semaphore(%run_scoped3A : memref<!tpu.dma_semaphore, #tpu.memory_space<semaphore_mem>>) src(%dma_wait3A_37 : memref<1000x16xf32, #tpu.memory_space<hbm>>) dst(%arg4 : memref<1000x16xf32, #tpu.memory_space<vmem>>)
      tpu.yield
    }) : () -> ()
    "tpu.region"() ({
      %run_scoped3A = tpu.sem_alloc : memref<!tpu.dma_semaphore, #tpu.memory_space<semaphore_mem>>
      %dma_start3A = arith.constant 0 : i32
      %dma_start3A_32 = tpu.memref_slice %arg3[%multiple_of3A_22, %dma_start3A] : memref<320000x16xf32, #tpu.memory_space<hbm>> -> memref<1000x16xf32, #tpu.memory_space<hbm>>
      %dma_start3A_33 = arith.constant 0 : i32
      %dma_start3A_34 = tpu.memref_slice %arg3[%multiple_of3A_22, %dma_start3A_33] : memref<320000x16xf32, #tpu.memory_space<hbm>> -> memref<1000x16xf32, #tpu.memory_space<hbm>>
      tpu.enqueue_dma source(%arg4 : memref<1000x16xf32, #tpu.memory_space<vmem>>) target(%dma_start3A_34 : memref<1000x16xf32, #tpu.memory_space<hbm>>) target_semaphore(%run_scoped3A : memref<!tpu.dma_semaphore, #tpu.memory_space<semaphore_mem>>)
      %dma_wait3A = arith.constant 0 : i32
      %dma_wait3A_35 = tpu.memref_slice %arg3[%multiple_of3A_22, %dma_wait3A] : memref<320000x16xf32, #tpu.memory_space<hbm>> -> memref<1000x16xf32, #tpu.memory_space<hbm>>
      %dma_wait3A_36 = arith.constant 0 : i32
      %dma_wait3A_37 = tpu.memref_slice %arg3[%multiple_of3A_22, %dma_wait3A_36] : memref<320000x16xf32, #tpu.memory_space<hbm>> -> memref<1000x16xf32, #tpu.memory_space<hbm>>
      tpu.wait_dma2 semaphore(%run_scoped3A : memref<!tpu.dma_semaphore, #tpu.memory_space<semaphore_mem>>) src(%arg4 : memref<1000x16xf32, #tpu.memory_space<vmem>>) dst(%dma_wait3A_37 : memref<1000x16xf32, #tpu.memory_space<hbm>>)
      tpu.yield
    }) : () -> ()
    %add3A_23 = arith.constant 7000 : i32
    %add3A_24 = arith.addi %mul3A_2, %add3A_23 : i32
    %multiple_of3A_25 = tpu.assume_multiple %add3A_24, 8 : i32
    "tpu.region"() ({
      %run_scoped3A = tpu.sem_alloc : memref<!tpu.dma_semaphore, #tpu.memory_space<semaphore_mem>>
      %dma_start3A = arith.constant 0 : i32
      %dma_start3A_32 = tpu.memref_slice %arg2[%multiple_of3A_25, %dma_start3A] : memref<320000x16xf32, #tpu.memory_space<hbm>> -> memref<1000x16xf32, #tpu.memory_space<hbm>>
      %dma_start3A_33 = arith.constant 0 : i32
      %dma_start3A_34 = tpu.memref_slice %arg2[%multiple_of3A_25, %dma_start3A_33] : memref<320000x16xf32, #tpu.memory_space<hbm>> -> memref<1000x16xf32, #tpu.memory_space<hbm>>
      tpu.enqueue_dma source(%dma_start3A_34 : memref<1000x16xf32, #tpu.memory_space<hbm>>) target(%arg4 : memref<1000x16xf32, #tpu.memory_space<vmem>>) target_semaphore(%run_scoped3A : memref<!tpu.dma_semaphore, #tpu.memory_space<semaphore_mem>>)
      %dma_wait3A = arith.constant 0 : i32
      %dma_wait3A_35 = tpu.memref_slice %arg2[%multiple_of3A_25, %dma_wait3A] : memref<320000x16xf32, #tpu.memory_space<hbm>> -> memref<1000x16xf32, #tpu.memory_space<hbm>>
      %dma_wait3A_36 = arith.constant 0 : i32
      %dma_wait3A_37 = tpu.memref_slice %arg2[%multiple_of3A_25, %dma_wait3A_36] : memref<320000x16xf32, #tpu.memory_space<hbm>> -> memref<1000x16xf32, #tpu.memory_space<hbm>>
      tpu.wait_dma2 semaphore(%run_scoped3A : memref<!tpu.dma_semaphore, #tpu.memory_space<semaphore_mem>>) src(%dma_wait3A_37 : memref<1000x16xf32, #tpu.memory_space<hbm>>) dst(%arg4 : memref<1000x16xf32, #tpu.memory_space<vmem>>)
      tpu.yield
    }) : () -> ()
    "tpu.region"() ({
      %run_scoped3A = tpu.sem_alloc : memref<!tpu.dma_semaphore, #tpu.memory_space<semaphore_mem>>
      %dma_start3A = arith.constant 0 : i32
      %dma_start3A_32 = tpu.memref_slice %arg3[%multiple_of3A_25, %dma_start3A] : memref<320000x16xf32, #tpu.memory_space<hbm>> -> memref<1000x16xf32, #tpu.memory_space<hbm>>
      %dma_start3A_33 = arith.constant 0 : i32
      %dma_start3A_34 = tpu.memref_slice %arg3[%multiple_of3A_25, %dma_start3A_33] : memref<320000x16xf32, #tpu.memory_space<hbm>> -> memref<1000x16xf32, #tpu.memory_space<hbm>>
      tpu.enqueue_dma source(%arg4 : memref<1000x16xf32, #tpu.memory_space<vmem>>) target(%dma_start3A_34 : memref<1000x16xf32, #tpu.memory_space<hbm>>) target_semaphore(%run_scoped3A : memref<!tpu.dma_semaphore, #tpu.memory_space<semaphore_mem>>)
      %dma_wait3A = arith.constant 0 : i32
      %dma_wait3A_35 = tpu.memref_slice %arg3[%multiple_of3A_25, %dma_wait3A] : memref<320000x16xf32, #tpu.memory_space<hbm>> -> memref<1000x16xf32, #tpu.memory_space<hbm>>
      %dma_wait3A_36 = arith.constant 0 : i32
      %dma_wait3A_37 = tpu.memref_slice %arg3[%multiple_of3A_25, %dma_wait3A_36] : memref<320000x16xf32, #tpu.memory_space<hbm>> -> memref<1000x16xf32, #tpu.memory_space<hbm>>
      tpu.wait_dma2 semaphore(%run_scoped3A : memref<!tpu.dma_semaphore, #tpu.memory_space<semaphore_mem>>) src(%arg4 : memref<1000x16xf32, #tpu.memory_space<vmem>>) dst(%dma_wait3A_37 : memref<1000x16xf32, #tpu.memory_space<hbm>>)
      tpu.yield
    }) : () -> ()
    %add3A_26 = arith.constant 8000 : i32
    %add3A_27 = arith.addi %mul3A_2, %add3A_26 : i32
    %multiple_of3A_28 = tpu.assume_multiple %add3A_27, 8 : i32
    "tpu.region"() ({
      %run_scoped3A = tpu.sem_alloc : memref<!tpu.dma_semaphore, #tpu.memory_space<semaphore_mem>>
      %dma_start3A = arith.constant 0 : i32
      %dma_start3A_32 = tpu.memref_slice %arg2[%multiple_of3A_28, %dma_start3A] : memref<320000x16xf32, #tpu.memory_space<hbm>> -> memref<1000x16xf32, #tpu.memory_space<hbm>>
      %dma_start3A_33 = arith.constant 0 : i32
      %dma_start3A_34 = tpu.memref_slice %arg2[%multiple_of3A_28, %dma_start3A_33] : memref<320000x16xf32, #tpu.memory_space<hbm>> -> memref<1000x16xf32, #tpu.memory_space<hbm>>
      tpu.enqueue_dma source(%dma_start3A_34 : memref<1000x16xf32, #tpu.memory_space<hbm>>) target(%arg4 : memref<1000x16xf32, #tpu.memory_space<vmem>>) target_semaphore(%run_scoped3A : memref<!tpu.dma_semaphore, #tpu.memory_space<semaphore_mem>>)
      %dma_wait3A = arith.constant 0 : i32
      %dma_wait3A_35 = tpu.memref_slice %arg2[%multiple_of3A_28, %dma_wait3A] : memref<320000x16xf32, #tpu.memory_space<hbm>> -> memref<1000x16xf32, #tpu.memory_space<hbm>>
      %dma_wait3A_36 = arith.constant 0 : i32
      %dma_wait3A_37 = tpu.memref_slice %arg2[%multiple_of3A_28, %dma_wait3A_36] : memref<320000x16xf32, #tpu.memory_space<hbm>> -> memref<1000x16xf32, #tpu.memory_space<hbm>>
      tpu.wait_dma2 semaphore(%run_scoped3A : memref<!tpu.dma_semaphore, #tpu.memory_space<semaphore_mem>>) src(%dma_wait3A_37 : memref<1000x16xf32, #tpu.memory_space<hbm>>) dst(%arg4 : memref<1000x16xf32, #tpu.memory_space<vmem>>)
      tpu.yield
    }) : () -> ()
    "tpu.region"() ({
      %run_scoped3A = tpu.sem_alloc : memref<!tpu.dma_semaphore, #tpu.memory_space<semaphore_mem>>
      %dma_start3A = arith.constant 0 : i32
      %dma_start3A_32 = tpu.memref_slice %arg3[%multiple_of3A_28, %dma_start3A] : memref<320000x16xf32, #tpu.memory_space<hbm>> -> memref<1000x16xf32, #tpu.memory_space<hbm>>
      %dma_start3A_33 = arith.constant 0 : i32
      %dma_start3A_34 = tpu.memref_slice %arg3[%multiple_of3A_28, %dma_start3A_33] : memref<320000x16xf32, #tpu.memory_space<hbm>> -> memref<1000x16xf32, #tpu.memory_space<hbm>>
      tpu.enqueue_dma source(%arg4 : memref<1000x16xf32, #tpu.memory_space<vmem>>) target(%dma_start3A_34 : memref<1000x16xf32, #tpu.memory_space<hbm>>) target_semaphore(%run_scoped3A : memref<!tpu.dma_semaphore, #tpu.memory_space<semaphore_mem>>)
      %dma_wait3A = arith.constant 0 : i32
      %dma_wait3A_35 = tpu.memref_slice %arg3[%multiple_of3A_28, %dma_wait3A] : memref<320000x16xf32, #tpu.memory_space<hbm>> -> memref<1000x16xf32, #tpu.memory_space<hbm>>
      %dma_wait3A_36 = arith.constant 0 : i32
      %dma_wait3A_37 = tpu.memref_slice %arg3[%multiple_of3A_28, %dma_wait3A_36] : memref<320000x16xf32, #tpu.memory_space<hbm>> -> memref<1000x16xf32, #tpu.memory_space<hbm>>
      tpu.wait_dma2 semaphore(%run_scoped3A : memref<!tpu.dma_semaphore, #tpu.memory_space<semaphore_mem>>) src(%arg4 : memref<1000x16xf32, #tpu.memory_space<vmem>>) dst(%dma_wait3A_37 : memref<1000x16xf32, #tpu.memory_space<hbm>>)
      tpu.yield
    }) : () -> ()
    %add3A_29 = arith.constant 9000 : i32
    %add3A_30 = arith.addi %mul3A_2, %add3A_29 : i32
    %multiple_of3A_31 = tpu.assume_multiple %add3A_30, 8 : i32
    "tpu.region"() ({
      %run_scoped3A = tpu.sem_alloc : memref<!tpu.dma_semaphore, #tpu.memory_space<semaphore_mem>>
      %dma_start3A = arith.constant 0 : i32
      %dma_start3A_32 = tpu.memref_slice %arg2[%multiple_of3A_31, %dma_start3A] : memref<320000x16xf32, #tpu.memory_space<hbm>> -> memref<1000x16xf32, #tpu.memory_space<hbm>>
      %dma_start3A_33 = arith.constant 0 : i32
      %dma_start3A_34 = tpu.memref_slice %arg2[%multiple_of3A_31, %dma_start3A_33] : memref<320000x16xf32, #tpu.memory_space<hbm>> -> memref<1000x16xf32, #tpu.memory_space<hbm>>
      tpu.enqueue_dma source(%dma_start3A_34 : memref<1000x16xf32, #tpu.memory_space<hbm>>) target(%arg4 : memref<1000x16xf32, #tpu.memory_space<vmem>>) target_semaphore(%run_scoped3A : memref<!tpu.dma_semaphore, #tpu.memory_space<semaphore_mem>>)
      %dma_wait3A = arith.constant 0 : i32
      %dma_wait3A_35 = tpu.memref_slice %arg2[%multiple_of3A_31, %dma_wait3A] : memref<320000x16xf32, #tpu.memory_space<hbm>> -> memref<1000x16xf32, #tpu.memory_space<hbm>>
      %dma_wait3A_36 = arith.constant 0 : i32
      %dma_wait3A_37 = tpu.memref_slice %arg2[%multiple_of3A_31, %dma_wait3A_36] : memref<320000x16xf32, #tpu.memory_space<hbm>> -> memref<1000x16xf32, #tpu.memory_space<hbm>>
      tpu.wait_dma2 semaphore(%run_scoped3A : memref<!tpu.dma_semaphore, #tpu.memory_space<semaphore_mem>>) src(%dma_wait3A_37 : memref<1000x16xf32, #tpu.memory_space<hbm>>) dst(%arg4 : memref<1000x16xf32, #tpu.memory_space<vmem>>)
      tpu.yield
    }) : () -> ()
    "tpu.region"() ({
      %run_scoped3A = tpu.sem_alloc : memref<!tpu.dma_semaphore, #tpu.memory_space<semaphore_mem>>
      %dma_start3A = arith.constant 0 : i32
      %dma_start3A_32 = tpu.memref_slice %arg3[%multiple_of3A_31, %dma_start3A] : memref<320000x16xf32, #tpu.memory_space<hbm>> -> memref<1000x16xf32, #tpu.memory_space<hbm>>
      %dma_start3A_33 = arith.constant 0 : i32
      %dma_start3A_34 = tpu.memref_slice %arg3[%multiple_of3A_31, %dma_start3A_33] : memref<320000x16xf32, #tpu.memory_space<hbm>> -> memref<1000x16xf32, #tpu.memory_space<hbm>>
      tpu.enqueue_dma source(%arg4 : memref<1000x16xf32, #tpu.memory_space<vmem>>) target(%dma_start3A_34 : memref<1000x16xf32, #tpu.memory_space<hbm>>) target_semaphore(%run_scoped3A : memref<!tpu.dma_semaphore, #tpu.memory_space<semaphore_mem>>)
      %dma_wait3A = arith.constant 0 : i32
      %dma_wait3A_35 = tpu.memref_slice %arg3[%multiple_of3A_31, %dma_wait3A] : memref<320000x16xf32, #tpu.memory_space<hbm>> -> memref<1000x16xf32, #tpu.memory_space<hbm>>
      %dma_wait3A_36 = arith.constant 0 : i32
      %dma_wait3A_37 = tpu.memref_slice %arg3[%multiple_of3A_31, %dma_wait3A_36] : memref<320000x16xf32, #tpu.memory_space<hbm>> -> memref<1000x16xf32, #tpu.memory_space<hbm>>
      tpu.wait_dma2 semaphore(%run_scoped3A : memref<!tpu.dma_semaphore, #tpu.memory_space<semaphore_mem>>) src(%arg4 : memref<1000x16xf32, #tpu.memory_space<vmem>>) dst(%dma_wait3A_37 : memref<1000x16xf32, #tpu.memory_space<hbm>>)
      tpu.yield
    }) : () -> ()
    return
  }
}

module attributes {stable_mosaic.version = 14 : i64} {
  func.func @_xu_body(%arg0: i32, %arg1: memref<1000x128xf32, #tpu.memory_space<vmem>>, %arg2: memref<16x64xf32, #tpu.memory_space<vmem>>, %arg3: memref<1000x128xf32, #tpu.memory_space<vmem>>, %arg4: memref<16x64xf32, #tpu.memory_space<vmem>>) attributes {dimension_semantics = [#tpu.dimension_semantics<arbitrary>], iteration_bounds = array<i64: 10>, scalar_prefetch = 0 : i64, scratch_operands = 0 : i64, tpu.core_type = #tpu.core_type<tc>, window_params = [{transform_indices = @transform_0, window_bounds = array<i64: 1000, 128>}, {pipeline_mode = #tpu.pipeline_mode<synchronous>, transform_indices = @transform_1, window_bounds = array<i64: 16, 64>}, {transform_indices = @transform_2, window_bounds = array<i64: 1000, 128>}, {pipeline_mode = #tpu.pipeline_mode<synchronous>, transform_indices = @transform_3, window_bounds = array<i64: 16, 64>}]} {
    %get3A = arith.constant 0 : index
    %get3A_0 = arith.constant 0 : index
    %get3A_1 = vector.load %arg1[%get3A, %get3A_0] : memref<1000x128xf32, #tpu.memory_space<vmem>>, vector<1000x128xf32>
    %swap3A = arith.constant 0 : index
    %swap3A_2 = arith.constant 0 : index
    %swap3A_3 = vector.load %arg3[%swap3A, %swap3A_2] : memref<1000x128xf32, #tpu.memory_space<vmem>>, vector<1000x128xf32>
    tpu.vector_store %arg3[%swap3A, %swap3A_2], %get3A_1 {strides = array<i32>} : memref<1000x128xf32, #tpu.memory_space<vmem>>, vector<1000x128xf32>,
    %get3A_4 = arith.constant 0 : index
    %get3A_5 = arith.constant 0 : index
    %get3A_6 = vector.load %arg2[%get3A_4, %get3A_5] : memref<16x64xf32, #tpu.memory_space<vmem>>, vector<16x64xf32>
    %swap3A_7 = arith.constant 0 : index
    %swap3A_8 = arith.constant 0 : index
    %swap3A_9 = vector.load %arg4[%swap3A_7, %swap3A_8] : memref<16x64xf32, #tpu.memory_space<vmem>>, vector<16x64xf32>
    tpu.vector_store %arg4[%swap3A_7, %swap3A_8], %get3A_6 {strides = array<i32>} : memref<16x64xf32, #tpu.memory_space<vmem>>, vector<16x64xf32>,
    return
  }
  func.func @transform_0(%arg0: i32) -> (i32, i32) {
    %c0_i32 = arith.constant 0 : i32
    %c0_i32_0 = arith.constant 0 : i32
    return %arg0, %c0_i32 : i32, i32
  }
  func.func @transform_1(%arg0: i32) -> (i32, i32) {
    %c0_i32 = arith.constant 0 : i32
    %c0_i32_0 = arith.constant 0 : i32
    %c0_i32_1 = arith.constant 0 : i32
    return %c0_i32, %c0_i32_0 : i32, i32
  }
  func.func @transform_2(%arg0: i32) -> (i32, i32) {
    %c0_i32 = arith.constant 0 : i32
    %c0_i32_0 = arith.constant 0 : i32
    return %arg0, %c0_i32 : i32, i32
  }
  func.func @transform_3(%arg0: i32) -> (i32, i32) {
    %c0_i32 = arith.constant 0 : i32
    %c0_i32_0 = arith.constant 0 : i32
    %c0_i32_1 = arith.constant 0 : i32
    return %c0_i32, %c0_i32_0 : i32, i32
  }
}

</mosaic_0001>

<sc_bundles>
// kernel: kernel.4.cloned.1.call-start
scs
__scs_entry_jumppad:
0x0: {  	(pc) =	sbr.rel $0x88, $3  }
0x1: {  	(tag) =	ssettag $0x0;
	lr =	simm.s32 $0x1  }
0x2: {  	[smem:$0x3F9E] =	sst lr;
	_ =	strace $0xD0000000  }
0x3: {  	_ = 	snop  }
0x4: {  	_ = 	snop  }
0x5: {  	_ = 	snop  }
0x6: {  	_ = 	snop  }
0x7: {  	_ = 	snop  }
__scs_overlays_trampoline_lowered:
0x8: {  	[smem:$0x3FAD] =	sst s0  }
0x9: {  	[smem:$0x3FAE] =	sst s1  }
0xa: {  	[smem:$0x3FAF] =	sst s2  }
0xb: {  	[smem:$0x3FB0] =	sst s3  }
0xc: {  	[smem:$0x3FB1] =	sst s4  }
0xd: {  	[smem:$0x3FB2] =	sst s5  }
0xe: {  	[smem:$0x3FB3] =	sst s6  }
0xf: {  	[smem:$0x3FB4] =	sst s7  }
0x10: {  	[smem:$0x3FB5] =	sst s8  }
0x11: {  	[smem:$0x3FB6] =	sst s9;
	s0 =	simm.s32 @!p0 $0x0  }
0x12: {  	s1 =	sld [smem:$0x3F9C];
	s0 =	simm.s32 @p0 $0x1  }
0x13: {  	[smem:$0x3FB7] =	sst s0;
	s0 =	simm.s32 @!p1 $0x0  }
0x14: {  	s2 =	sld [smem:$0x3F9B];
	s0 =	simm.s32 @p1 $0x1  }
0x15: {  	[smem:$0x3FB8] =	sst s0;
	s0 =	simm.s32 @!p2 $0x0  }
0x16: {  	s3 =	sld [smem:$0x3FDB];
	s0 =	simm.s32 @p2 $0x1  }
0x17: {  	s4 =	simm.s32 $0x1BF5;
	[smem:$0x3FBA] =	sst s0  }
0x18: {  	s0 =	sld [smem:$0x3F9D];
	_ =	swait.ge [sflag:s4], $0x0  }
0x19: {  	s7 =	sld [smem:$0x3F9E]  }
0x1a: {  	s8 =	sadd.s32 $0xFFFFE003, lr  }
0x1b: {  	s9 =	sadd.s32 $0xFFFFFEF7, lr;
	s5 =	simm.s32 $0xFFFFFFFF;
	p2 =	slt.u32 s8, $0xFFFFF086  }
0x1c: {  	p1 =	slt.u32 s9, $0xF7A;
	s5 =	simm.s32 @!p2 $0x0  }
0x1d: {  	s5 =	simm.s32 @p1 $0x1;
	p0 =	seq.s32 s7, s2  }
0x1e: {  	s7 =	smul.u32 @!p0 $0xF7A, s2;
	p2 =	seq.s32 @!p0 s5, $0x0  }
0x1f: {  	s9 =	smul.u32 $0xF7A, s1;
	s8 =	simm.s32 @!p0 $0x1BF5;
	p2 =	por !p2, p0  }
0x20: {  	[sflag:s8] =	ssyncset.s32 @!p0 $0xFFFFF086;
	s6 =	sadd.s32 @!p0 s3, s7;
	s7 =	simm.s32 @!p0 $0x108  }
0x21: {  	s3 =	sadd.s32 s3, s9;
	s6 =	sadd.s32 @!p0 $0x88, s6;
	s7 =	simm.s32 @p2 $0x1082  }
0x22: {  	[simem:s7], [sflag:s8] =	dma.local @!p0 [hbm:s6], $0xF7A  }
0x23: {  	s9 =	sor.u32 $0xD0000000, s2;
	s6 =	simm.s32 $0x108;
	_ =	swait.ge @!p0 [sflag:s8], $0x0  }
0x24: {  	s3 =	sadd.s32 $0x88, s3;
	s6 =	simm.s32 @!p1 $0x1082;
	[sflag:s4] =	ssyncset.s32 $0xFFFFF086  }
0x25: {  	[simem:s6], [sflag:s4] =	dma.local [hbm:s3], $0xF7A  }
0x26: {  	[smem:$0x3F9E] =	sst s1;
	(tag) =	ssettag s2;
	_ =	strace s9  }
0x27: {  	s1 =	sld [smem:$0x3FAE]  }
0x28: {  	s2 =	sld [smem:$0x3FAF]  }
0x29: {  	s4 =	sld [smem:$0x3FB1]  }
0x2a: {  	p0 =	seq.s32 s5, $0x0;
	s5 =	sld [smem:$0x3FB2]  }
0x2b: {  	s6 =	sld [smem:$0x3FB3]  }
0x2c: {  	s7 =	sld [smem:$0x3FB4]  }
0x2d: {  	s3 =	simm.s32 $0x108;
	s8 =	sld [smem:$0x3FB5]  }
0x2e: {  	s3 =	simm.s32 @!p0 $0x1082;
	s9 =	sld [smem:$0x3FB6]  }
0x2f: {  	lr =	sadd.s32 s0, s3;
	s0 =	sld [smem:$0x3FAD]  }
0x30: {  	s3 =	sld [smem:$0x3FB0]  }
0x31: {  	[smem:$0x3FB9] =	sst s10  }
0x32: {  	s10 =	sld [smem:$0x3FB7];
	_ =	sdelay $0x3  }
0x33: {  	p0 =	seq.s32 s10, $0x1;
	s10 =	sld [smem:$0x3FB9];
	_ =	sdelay $0x3  }
0x34: {  	[smem:$0x3FB9] =	sst s10  }
0x35: {  	s10 =	sld [smem:$0x3FB8];
	_ =	sdelay $0x3  }
0x36: {  	p1 =	seq.s32 s10, $0x1;
	s10 =	sld [smem:$0x3FB9];
	_ =	sdelay $0x3  }
0x37: {  	[smem:$0x3FB9] =	sst s10  }
0x38: {  	s10 =	sld [smem:$0x3FBA]  }
0x39: {  	_ = 	snop;
	(pc) =	sbr.ind lr, $3  }
0x3a: {  	_ = 	snop  }
0x3b: {  	_ = 	snop  }
0x3c: {  	p2 =	seq.s32 s10, $0x1;
	s10 =	sld [smem:$0x3FB9]  }
0x3d: {  	_ =	shalt  }
0x3e: {  	_ =	shalt  }
0x3f: {  	_ =	shalt  }
0x40: {  	_ =	shalt  }
0x41: {  	_ =	shalt  }
0x42: {  	_ =	shalt  }
0x43: {  	_ =	shalt  }
0x44: {  	_ =	shalt  }
0x45: {  	_ =	shalt  }
0x46: {  	_ =	shalt  }
0x47: {  	_ =	shalt  }
0x48: {  	_ =	shalt  }
0x49: {  	_ =	shalt  }
0x4a: {  	_ =	shalt  }
0x4b: {  	_ =	shalt  }
0x4c: {  	_ =	shalt  }
0x4d: {  	_ =	shalt  }
0x4e: {  	_ =	shalt  }
0x4f: {  	_ =	shalt  }
0x50: {  	_ =	shalt  }
0x51: {  	_ =	shalt  }
0x52: {  	_ =	shalt  }
0x53: {  	_ =	shalt  }
0x54: {  	_ =	shalt  }
0x55: {  	_ =	shalt  }
0x56: {  	_ =	shalt  }
0x57: {  	_ =	shalt  }
0x58: {  	_ =	shalt  }
0x59: {  	_ =	shalt  }
0x5a: {  	_ =	shalt  }
0x5b: {  	_ =	shalt  }
0x5c: {  	_ =	shalt  }
0x5d: {  	_ =	shalt  }
0x5e: {  	_ =	shalt  }
0x5f: {  	_ =	shalt  }
0x60: {  	_ =	shalt  }
0x61: {  	_ =	shalt  }
0x62: {  	_ =	shalt  }
0x63: {  	_ =	shalt  }
0x64: {  	_ =	shalt  }
0x65: {  	_ =	shalt  }
0x66: {  	_ =	shalt  }
0x67: {  	_ =	shalt  }
0x68: {  	_ =	shalt  }
0x69: {  	_ =	shalt  }
0x6a: {  	_ =	shalt  }
0x6b: {  	_ =	shalt  }
0x6c: {  	_ =	shalt  }
0x6d: {  	_ =	shalt  }
0x6e: {  	_ =	shalt  }
0x6f: {  	_ =	shalt  }
0x70: {  	_ =	shalt  }
0x71: {  	_ =	shalt  }
0x72: {  	_ =	shalt  }
0x73: {  	_ =	shalt  }
0x74: {  	_ =	shalt  }
0x75: {  	_ =	shalt  }
0x76: {  	_ =	shalt  }
0x77: {  	_ =	shalt  }
0x78: {  	_ =	shalt  }
0x79: {  	_ =	shalt  }
0x7a: {  	_ =	shalt  }
0x7b: {  	_ =	shalt  }
0x7c: {  	_ =	shalt  }
0x7d: {  	_ =	shalt  }
0x7e: {  	_ =	shalt  }
0x7f: {  	_ =	shalt  }
0x80: {  	_ =	shalt  }
0x81: {  	_ =	shalt  }
0x82: {  	_ =	shalt  }
0x83: {  	_ =	shalt  }
0x84: {  	_ =	shalt  }
0x85: {  	_ =	shalt  }
0x86: {  	_ =	shalt  }
0x87: {  	_ =	shalt  }
.Lfunc_end0:
.L_simem_size_0:
called_computation_lowered:
.L_overlay_start_0:
0x88: {  	s2 =	sld [smem:$0x3FD9]  }
0x89: {  	s3 =	sld [smem:$0x3FFE];
	_ =	sdelay $0x1  }
0x8a: {  	s1 =	srdreg.scid  }
0x8b: {  	s0 =	sand.u32 $0x1, s1  }
0x8c: {  	s14 =	sshll.u32 s0, $0xA;
	s2 =	sadd.s32 s3, s2  }
0x8d: {  	s2 =	sadd.s32 s2, s14  }
0x8e: {  	[smem:$0x3FC5] =	sst s2  }
0x8f: {  	_ = 	snop  }
0x90: {  	s2 =	sld [smem:$0x3FD0];
	_ =	sdelay $0x2  }
0x91: {  	s15 =	simm.s32 $0xA;
	s4 =	simm.s32 $0x10  }
0x92: {  	[smem:s4], [sflag:s15] =	dma.local [hbm:s2], $0x1  }
0x93: {  	_ =	swait.eq [sflag:s15], $0x1  }
0x94: {  	[sflag:s15] =	ssyncset.done $0x0  }
0x95: {  	[sflag:s15] =	ssyncadd.s32 $0xFFFFFFFF  }
0x96: {  	s16 =	sld [smem:$0x11];
	(tm) =	ssettm $0x1  }
0x97: {  	s17 =	sld [smem:$0x3FFB];
	_ =	sdelay $0x3  }
0x98: {  	_ =	strace s17  }
0x99: {  	s3 =	sld [smem:$0x3FFC];
	_ =	sdelay $0x3  }
0x9a: {  	_ =	strace s3  }
0x9b: {  	s3 =	sld [smem:$0x3FFD];
	_ =	sdelay $0x3  }
0x9c: {  	_ =	strace s3  }
0x9d: {  	_ =	strace $0x8FFFFFFF  }
0x9e: {  	s18 =	sld [smem:$0x3FDB];
	_ =	sdelay $0x1  }
0x9f: {  	s19 =	simm.s32 $_scs_section_size  }
0xa0: {  	s5 =	simm.s32 $_size__tile_overlayer_lowered;
	s6 =	simm.s32 $_tile_overlayer_lowered  }
0xa1: {  	s22 =	simm.s32 $0x1BFF;
	s21 =	sshll.u32 s6, $0x1;
	s3 =	sadd.s32 s19, s18  }
0xa2: {  	s7 =	simm.s32 $0x0;
	s20 =	sshll.u32 s5, $0x1;
	s5 =	sadd.s32 s21, s3  }
0xa3: {  	[timem:s7], [sflag:s22] =	dma.local [hbm:s5], s20  }
0xa4: {  	_ =	swait.ge [sflag:s22], s20  }
0xa5: {  	s4 =	ssub.s32 $0x0, s20;
	[sflag:s22] =	ssyncset.done $0x0  }
0xa6: {  	[sflag:s22] =	ssyncadd.s32 s4;
	_ =	sdelay $0x1  }
0xa7: {  	s23 =	simm.s32 $0x1B8B  }
0xa8: {  	_ =	swait.ge [sflag:s23], $0x1  }
0xa9: {  	[sflag:s23] =	ssyncset.done $0x0  }
0xaa: {  	s25 =	simm.s32 $0x1B8E;
	s24 =	sld [smem:$0x3FFE];
	[sflag:s23] =	ssyncadd.s32 $0xFFFFFFFF  }
0xab: {  	s26 =	simm.s32 $execute0_lowered;
	[smem:$0x3FD2] =	sst s25  }
0xac: {  	s5 =	sshll.u32 s26, $0x1;
	_ =	strace $0x80000046;
	[dreg:$0x1] =	wrdreg $0xFFFFFFFF  }
0xad: {  	s28 =	simm.s32 $_size_execute0_lowered;
	s3 =	sadd.s32 s3, s5;
	[dreg:$0x0] =	wrdreg $0x0  }
0xae: {  	s5 =	sshll.u32 s28, $0x1;
	[dreg:$0x2] =	wrdreg s3  }
0xaf: {  	[dreg:$0x3] =	wrdreg s5  }
0xb0: {  	[dreg:$0x4] =	wrdreg $0xC0  }
0xb1: {  	_ =	task [dreg:s7], $0x5FFFF  }
0xb2: {  	[dreg:$0x1] =	wrdreg $0xFFFFFFFF  }
0xb3: {  	[dreg:$0x0] =	wrdreg $0x60  }
0xb4: {  	[dreg:$0x2] =	wrdreg s16  }
0xb5: {  	[dreg:$0x3] =	wrdreg s24  }
0xb6: {  	[dreg:$0x4] =	wrdreg $0x9  }
0xb7: {  	_ =	task.clear_ibuf [dreg:s7], $0x5FFFF;
	_ =	strace $0x90000046  }
0xb8: {  	s29 =	simm.s32 $0x9;
	_ =	strace $0x80000048  }
0xb9: {  	_ =	swait.ge [sflag:s29], $0x1  }
0xba: {  	[sflag:s29] =	ssyncadd.s32 $0xFFFFFFFF  }
0xbb: {  	_ =	strace $0x90000048  }
0xbc: {  	_ =	sfence  }
0xbd: {  	s30 =	sld [smem:$0x0];
	_ =	sdelay $0x2  }
0xbe: {  	s31 =	sshll.u32 s1, $0xD;
	s1 =	sshrl.u32 s1, $0x2  }
0xbf: {  	s3 =	sand.u32 $0x4000, s31;
	s1 =	sadd.s32 s1, s30  }
0xc0: {  	s0 =	sor.u32 s3, s0;
	s1 =	sshll.u32 s1, $0x11  }
0xc1: {  	s0 =	sor.u32 s1, s0  }
0xc2: {  	s0 =	sadd.s32 $0x8F2B, s0  }
0xc3: {  	[sflag:s0] =	ssyncadd.remote.s32 $0x1  }
0xc4: {  	_ =	sfence.sel $0xFFFF  }
0xc5: {  	[dreg:$0x0] =	wrdreg $0xFFFFFFFF;
	(pc) =	sbr.abs _section_cstart, $3  }
0xc6: {  	[dreg:$0x1] =	wrdreg $0xFFFFFFFF  }
0xc7: {  	_ =	task.clear_ibuf [dreg:s7], $0x2FFFF;
	_ =	strace $0x9FFFFFFF  }
0xc8: {  	(tm) =	ssettm $0x7FFFFFFF  }
0xc9: {  	_ =	shalt  }
tec
execute0_lowered:
.L_overlay_start_1:
0x0: {  	(tag) =	ssettag $0x1  }
0x1: {  	s1 =	srdreg.scid;
	s0 =	stileid.u32  }
0x2: {  	s23 =	sand.u32 $0x1, s1;
	s29 =	sshll.u32 s0, $0x1  }
0x3: {  	s22 =	rddreg [dreg:$0x0];
	s6 =	sor.u32 s23, s29  }
0x4: {  	s5 =	rddreg [dreg:$0x1];
	s2 =	simm.s32 $0x0;
	s7 =	smul.u32 $0x4E20, s6  }
0x5: {  	s3 =	simm.s32 $0x1;
	[smem:$0x7FF] =	sst s2  }
0x6: {  	s1 =	rddreg [dreg:$0x2];
	_ =	strace $0x80000047;
	s4 =	sadd.s32 s22, s7  }
0x7: {  	[tilespmem:s2], [sflag:$0x1] =	stream.linear.gather [hbm4b:s4+s2], $0x3E80, $0x38;
	[tilespmem:$0x3E80] =	vst v63  }
0x8: {  	_ =	swait.ge [sflag:s3], $0x3E80  }
0x9: {  	s24 =	sadd.s32 $0x1000, s5;
	[sflag:s3] =	ssyncset.done $0x0  }
0xa: {  	s6 =	smul.u32 $0x27100, s6;
	s5 =	sadd.s32 s24, s7;
	[sflag:s3] =	ssyncadd.s32 $0xFFFFC180  }
0xb: {  	[hbm4b:s5+s2] =	stream.linear.scatter [tilespmem:s2], [sflag:$0x1], $0x3E80, $0x38;
	[tilespmem:$0x3E80] =	vst v63  }
0xc: {  	s25 =	sshrl.u32 s6, $0x3;
	_ =	swait.ge [sflag:s3], $0x3E80  }
0xd: {  	s30 =	sadd.s32 $0x7D0, s25;
	[sflag:s3] =	ssyncset.done $0x0  }
0xe: {  	s6 =	sadd.s32 s22, s30;
	[sflag:s3] =	ssyncadd.s32 $0xFFFFC180  }
0xf: {  	[tilespmem:s2], [sflag:$0x1] =	stream.linear.gather [hbm4b:s6+s2], $0x3E80, $0x38;
	[tilespmem:$0x3E80] =	vst v63  }
0x10: {  	_ =	swait.ge [sflag:s3], $0x3E80  }
0x11: {  	[sflag:s3] =	ssyncset.done $0x0  }
0x12: {  	s7 =	sadd.s32 s24, s30;
	[sflag:s3] =	ssyncadd.s32 $0xFFFFC180  }
0x13: {  	[hbm4b:s7+s2] =	stream.linear.scatter [tilespmem:s2], [sflag:$0x1], $0x3E80, $0x38;
	[tilespmem:$0x3E80] =	vst v63  }
0x14: {  	_ =	swait.ge [sflag:s3], $0x3E80  }
0x15: {  	s9 =	sadd.s32 $0xFA0, s25;
	[sflag:s3] =	ssyncset.done $0x0  }
0x16: {  	s8 =	sadd.s32 s22, s9;
	[sflag:s3] =	ssyncadd.s32 $0xFFFFC180  }
0x17: {  	[tilespmem:s2], [sflag:$0x1] =	stream.linear.gather [hbm4b:s8+s2], $0x3E80, $0x38;
	[tilespmem:$0x3E80] =	vst v63  }
0x18: {  	_ =	swait.ge [sflag:s3], $0x3E80  }
0x19: {  	[sflag:s3] =	ssyncset.done $0x0  }
0x1a: {  	s9 =	sadd.s32 s24, s9;
	[sflag:s3] =	ssyncadd.s32 $0xFFFFC180  }
0x1b: {  	[hbm4b:s9+s2] =	stream.linear.scatter [tilespmem:s2], [sflag:$0x1], $0x3E80, $0x38;
	[tilespmem:$0x3E80] =	vst v63  }
0x1c: {  	_ =	swait.ge [sflag:s3], $0x3E80  }
0x1d: {  	s11 =	sadd.s32 $0x1770, s25;
	[sflag:s3] =	ssyncset.done $0x0  }
0x1e: {  	s10 =	sadd.s32 s22, s11;
	[sflag:s3] =	ssyncadd.s32 $0xFFFFC180  }
0x1f: {  	[tilespmem:s2], [sflag:$0x1] =	stream.linear.gather [hbm4b:s10+s2], $0x3E80, $0x38;
	[tilespmem:$0x3E80] =	vst v63  }
0x20: {  	_ =	swait.ge [sflag:s3], $0x3E80  }
0x21: {  	[sflag:s3] =	ssyncset.done $0x0  }
0x22: {  	s11 =	sadd.s32 s24, s11;
	[sflag:s3] =	ssyncadd.s32 $0xFFFFC180  }
0x23: {  	[hbm4b:s11+s2] =	stream.linear.scatter [tilespmem:s2], [sflag:$0x1], $0x3E80, $0x38;
	[tilespmem:$0x3E80] =	vst v63  }
0x24: {  	_ =	swait.ge [sflag:s3], $0x3E80  }
0x25: {  	s13 =	sadd.s32 $0x1F40, s25;
	[sflag:s3] =	ssyncset.done $0x0  }
0x26: {  	s12 =	sadd.s32 s22, s13;
	[sflag:s3] =	ssyncadd.s32 $0xFFFFC180  }
0x27: {  	[tilespmem:s2], [sflag:$0x1] =	stream.linear.gather [hbm4b:s12+s2], $0x3E80, $0x38;
	[tilespmem:$0x3E80] =	vst v63  }
0x28: {  	_ =	swait.ge [sflag:s3], $0x3E80  }
0x29: {  	[sflag:s3] =	ssyncset.done $0x0  }
0x2a: {  	s13 =	sadd.s32 s24, s13;
	[sflag:s3] =	ssyncadd.s32 $0xFFFFC180  }
0x2b: {  	[hbm4b:s13+s2] =	stream.linear.scatter [tilespmem:s2], [sflag:$0x1], $0x3E80, $0x38;
	[tilespmem:$0x3E80] =	vst v63  }
0x2c: {  	_ =	swait.ge [sflag:s3], $0x3E80  }
0x2d: {  	s15 =	sadd.s32 $0x2710, s25;
	[sflag:s3] =	ssyncset.done $0x0  }
0x2e: {  	s14 =	sadd.s32 s22, s15;
	[sflag:s3] =	ssyncadd.s32 $0xFFFFC180  }
0x2f: {  	[tilespmem:s2], [sflag:$0x1] =	stream.linear.gather [hbm4b:s14+s2], $0x3E80, $0x38;
	[tilespmem:$0x3E80] =	vst v63  }
0x30: {  	_ =	swait.ge [sflag:s3], $0x3E80  }
0x31: {  	[sflag:s3] =	ssyncset.done $0x0  }
0x32: {  	s15 =	sadd.s32 s24, s15;
	[sflag:s3] =	ssyncadd.s32 $0xFFFFC180  }
0x33: {  	[hbm4b:s15+s2] =	stream.linear.scatter [tilespmem:s2], [sflag:$0x1], $0x3E80, $0x38;
	[tilespmem:$0x3E80] =	vst v63  }
0x34: {  	_ =	swait.ge [sflag:s3], $0x3E80  }
0x35: {  	s17 =	sadd.s32 $0x2EE0, s25;
	[sflag:s3] =	ssyncset.done $0x0  }
0x36: {  	s16 =	sadd.s32 s22, s17;
	[sflag:s3] =	ssyncadd.s32 $0xFFFFC180  }
0x37: {  	[tilespmem:s2], [sflag:$0x1] =	stream.linear.gather [hbm4b:s16+s2], $0x3E80, $0x38;
	[tilespmem:$0x3E80] =	vst v63  }
0x38: {  	_ =	swait.ge [sflag:s3], $0x3E80  }
0x39: {  	[sflag:s3] =	ssyncset.done $0x0  }
0x3a: {  	s17 =	sadd.s32 s24, s17;
	[sflag:s3] =	ssyncadd.s32 $0xFFFFC180  }
0x3b: {  	[hbm4b:s17+s2] =	stream.linear.scatter [tilespmem:s2], [sflag:$0x1], $0x3E80, $0x38;
	[tilespmem:$0x3E80] =	vst v63  }
0x3c: {  	_ =	swait.ge [sflag:s3], $0x3E80  }
0x3d: {  	s19 =	sadd.s32 $0x36B0, s25;
	[sflag:s3] =	ssyncset.done $0x0  }
0x3e: {  	s18 =	sadd.s32 s22, s19;
	[sflag:s3] =	ssyncadd.s32 $0xFFFFC180  }
0x3f: {  	[tilespmem:s2], [sflag:$0x1] =	stream.linear.gather [hbm4b:s18+s2], $0x3E80, $0x38;
	[tilespmem:$0x3E80] =	vst v63  }
0x40: {  	_ =	swait.ge [sflag:s3], $0x3E80  }
0x41: {  	[sflag:s3] =	ssyncset.done $0x0  }
0x42: {  	s19 =	sadd.s32 s24, s19;
	[sflag:s3] =	ssyncadd.s32 $0xFFFFC180  }
0x43: {  	[hbm4b:s19+s2] =	stream.linear.scatter [tilespmem:s2], [sflag:$0x1], $0x3E80, $0x38;
	[tilespmem:$0x3E80] =	vst v63  }
0x44: {  	_ =	swait.ge [sflag:s3], $0x3E80  }
0x45: {  	s21 =	sadd.s32 $0x3E80, s25;
	[sflag:s3] =	ssyncset.done $0x0  }
0x46: {  	s20 =	sadd.s32 s22, s21;
	[sflag:s3] =	ssyncadd.s32 $0xFFFFC180  }
0x47: {  	[tilespmem:s2], [sflag:$0x1] =	stream.linear.gather [hbm4b:s20+s2], $0x3E80, $0x38;
	[tilespmem:$0x3E80] =	vst v63  }
0x48: {  	_ =	swait.ge [sflag:s3], $0x3E80  }
0x49: {  	[sflag:s3] =	ssyncset.done $0x0  }
0x4a: {  	s23 =	ssub.s32 $0x2, s23;
	s21 =	sadd.s32 s24, s21;
	[sflag:s3] =	ssyncadd.s32 $0xFFFFC180  }
0x4b: {  	[hbm4b:s21+s2] =	stream.linear.scatter [tilespmem:s2], [sflag:$0x1], $0x3E80, $0x38;
	[tilespmem:$0x3E80] =	vst v63  }
0x4c: {  	s26 =	sshrl.u32 s23, $0x1;
	_ =	swait.ge [sflag:s3], $0x3E80  }
0x4d: {  	s26 =	ssub.s32 s23, s26;
	s25 =	sadd.s32 $0x4650, s25;
	[sflag:s3] =	ssyncset.done $0x0  }
0x4e: {  	s31 =	smax.u32 s26, $0x1;
	s22 =	sadd.s32 s22, s25;
	[sflag:s3] =	ssyncadd.s32 $0xFFFFC180  }
0x4f: {  	[tilespmem:s2], [sflag:$0x1] =	stream.linear.gather [hbm4b:s22+s2], $0x3E80, $0x38;
	[tilespmem:$0x3E80] =	vst v63  }
0x50: {  	p0 =	sne.s32 s31, $0x1;
	_ =	swait.ge [sflag:s3], $0x3E80  }
.Ltmp0:
0x51: {  	[sflag:s3] =	ssyncset.done $0x0;
	(pc) =	sbr.rel @!p0 .LBB2_2-.Ltmp0, $4  }
0x52: {  	s23 =	sadd.s32 s24, s25;
	[sflag:s3] =	ssyncadd.s32 $0xFFFFC180  }
0x53: {  	[hbm4b:s23+s2] =	stream.linear.scatter [tilespmem:s2], [sflag:$0x1], $0x3E80, $0x38;
	[tilespmem:$0x3E80] =	vst v63  }
0x54: {  	_ =	swait.ge [sflag:s3], $0x3E80  }
0x55: {  	s24 =	sadd.s32 $0xFFFFFFFF, s31;
	[sflag:s3] =	ssyncset.done $0x0  }
.LBB2_1:
0x56: {  	p0 =	sne.s32 s24, $0x1;
	s24 =	sadd.s32 $0xFFFFFFFF, s24;
	[sflag:s3] =	ssyncadd.s32 $0xFFFFC180  }
0x57: {  	[tilespmem:s2], [sflag:$0x1] =	stream.linear.gather [hbm4b:s4+s2], $0x3E80, $0x38;
	[tilespmem:$0x3E80] =	vst v63  }
0x58: {  	_ =	swait.ge [sflag:s3], $0x3E80  }
0x59: {  	[sflag:s3] =	ssyncset.done $0x0  }
0x5a: {  	[sflag:s3] =	ssyncadd.s32 $0xFFFFC180  }
0x5b: {  	[hbm4b:s5+s2] =	stream.linear.scatter [tilespmem:s2], [sflag:$0x1], $0x3E80, $0x38;
	[tilespmem:$0x3E80] =	vst v63  }
0x5c: {  	_ =	swait.ge [sflag:s3], $0x3E80  }
0x5d: {  	[sflag:s3] =	ssyncset.done $0x0  }
0x5e: {  	[sflag:s3] =	ssyncadd.s32 $0xFFFFC180  }
0x5f: {  	[tilespmem:s2], [sflag:$0x1] =	stream.linear.gather [hbm4b:s6+s2], $0x3E80, $0x38;
	[tilespmem:$0x3E80] =	vst v63  }
0x60: {  	_ =	swait.ge [sflag:s3], $0x3E80  }
0x61: {  	[sflag:s3] =	ssyncset.done $0x0  }
0x62: {  	[sflag:s3] =	ssyncadd.s32 $0xFFFFC180  }
0x63: {  	[hbm4b:s7+s2] =	stream.linear.scatter [tilespmem:s2], [sflag:$0x1], $0x3E80, $0x38;
	[tilespmem:$0x3E80] =	vst v63  }
0x64: {  	_ =	swait.ge [sflag:s3], $0x3E80  }
0x65: {  	[sflag:s3] =	ssyncset.done $0x0  }
0x66: {  	[sflag:s3] =	ssyncadd.s32 $0xFFFFC180  }
0x67: {  	[tilespmem:s2], [sflag:$0x1] =	stream.linear.gather [hbm4b:s8+s2], $0x3E80, $0x38;
	[tilespmem:$0x3E80] =	vst v63  }
0x68: {  	_ =	swait.ge [sflag:s3], $0x3E80  }
0x69: {  	[sflag:s3] =	ssyncset.done $0x0  }
0x6a: {  	[sflag:s3] =	ssyncadd.s32 $0xFFFFC180  }
0x6b: {  	[hbm4b:s9+s2] =	stream.linear.scatter [tilespmem:s2], [sflag:$0x1], $0x3E80, $0x38;
	[tilespmem:$0x3E80] =	vst v63  }
0x6c: {  	_ =	swait.ge [sflag:s3], $0x3E80  }
0x6d: {  	[sflag:s3] =	ssyncset.done $0x0  }
0x6e: {  	[sflag:s3] =	ssyncadd.s32 $0xFFFFC180  }
0x6f: {  	[tilespmem:s2], [sflag:$0x1] =	stream.linear.gather [hbm4b:s10+s2], $0x3E80, $0x38;
	[tilespmem:$0x3E80] =	vst v63  }
0x70: {  	_ =	swait.ge [sflag:s3], $0x3E80  }
0x71: {  	[sflag:s3] =	ssyncset.done $0x0  }
0x72: {  	[sflag:s3] =	ssyncadd.s32 $0xFFFFC180  }
0x73: {  	[hbm4b:s11+s2] =	stream.linear.scatter [tilespmem:s2], [sflag:$0x1], $0x3E80, $0x38;
	[tilespmem:$0x3E80] =	vst v63  }
0x74: {  	_ =	swait.ge [sflag:s3], $0x3E80  }
0x75: {  	[sflag:s3] =	ssyncset.done $0x0  }
0x76: {  	[sflag:s3] =	ssyncadd.s32 $0xFFFFC180  }
0x77: {  	[tilespmem:s2], [sflag:$0x1] =	stream.linear.gather [hbm4b:s12+s2], $0x3E80, $0x38;
	[tilespmem:$0x3E80] =	vst v63  }
0x78: {  	_ =	swait.ge [sflag:s3], $0x3E80  }
0x79: {  	[sflag:s3] =	ssyncset.done $0x0  }
0x7a: {  	[sflag:s3] =	ssyncadd.s32 $0xFFFFC180  }
0x7b: {  	[hbm4b:s13+s2] =	stream.linear.scatter [tilespmem:s2], [sflag:$0x1], $0x3E80, $0x38;
	[tilespmem:$0x3E80] =	vst v63  }
0x7c: {  	_ =	swait.ge [sflag:s3], $0x3E80  }
0x7d: {  	[sflag:s3] =	ssyncset.done $0x0  }
0x7e: {  	[sflag:s3] =	ssyncadd.s32 $0xFFFFC180  }
0x7f: {  	[tilespmem:s2], [sflag:$0x1] =	stream.linear.gather [hbm4b:s14+s2], $0x3E80, $0x38;
	[tilespmem:$0x3E80] =	vst v63  }
0x80: {  	_ =	swait.ge [sflag:s3], $0x3E80  }
0x81: {  	[sflag:s3] =	ssyncset.done $0x0  }
0x82: {  	[sflag:s3] =	ssyncadd.s32 $0xFFFFC180  }
0x83: {  	[hbm4b:s15+s2] =	stream.linear.scatter [tilespmem:s2], [sflag:$0x1], $0x3E80, $0x38;
	[tilespmem:$0x3E80] =	vst v63  }
0x84: {  	_ =	swait.ge [sflag:s3], $0x3E80  }
0x85: {  	[sflag:s3] =	ssyncset.done $0x0  }
0x86: {  	[sflag:s3] =	ssyncadd.s32 $0xFFFFC180  }
0x87: {  	[tilespmem:s2], [sflag:$0x1] =	stream.linear.gather [hbm4b:s16+s2], $0x3E80, $0x38;
	[tilespmem:$0x3E80] =	vst v63  }
0x88: {  	_ =	swait.ge [sflag:s3], $0x3E80  }
0x89: {  	[sflag:s3] =	ssyncset.done $0x0  }
0x8a: {  	[sflag:s3] =	ssyncadd.s32 $0xFFFFC180  }
0x8b: {  	[hbm4b:s17+s2] =	stream.linear.scatter [tilespmem:s2], [sflag:$0x1], $0x3E80, $0x38;
	[tilespmem:$0x3E80] =	vst v63  }
0x8c: {  	_ =	swait.ge [sflag:s3], $0x3E80  }
0x8d: {  	[sflag:s3] =	ssyncset.done $0x0  }
0x8e: {  	[sflag:s3] =	ssyncadd.s32 $0xFFFFC180  }
0x8f: {  	[tilespmem:s2], [sflag:$0x1] =	stream.linear.gather [hbm4b:s18+s2], $0x3E80, $0x38;
	[tilespmem:$0x3E80] =	vst v63  }
0x90: {  	_ =	swait.ge [sflag:s3], $0x3E80  }
0x91: {  	[sflag:s3] =	ssyncset.done $0x0  }
0x92: {  	[sflag:s3] =	ssyncadd.s32 $0xFFFFC180  }
0x93: {  	[hbm4b:s19+s2] =	stream.linear.scatter [tilespmem:s2], [sflag:$0x1], $0x3E80, $0x38;
	[tilespmem:$0x3E80] =	vst v63  }
0x94: {  	_ =	swait.ge [sflag:s3], $0x3E80  }
0x95: {  	[sflag:s3] =	ssyncset.done $0x0  }
0x96: {  	[sflag:s3] =	ssyncadd.s32 $0xFFFFC180  }
0x97: {  	[tilespmem:s2], [sflag:$0x1] =	stream.linear.gather [hbm4b:s20+s2], $0x3E80, $0x38;
	[tilespmem:$0x3E80] =	vst v63  }
0x98: {  	_ =	swait.ge [sflag:s3], $0x3E80  }
0x99: {  	[sflag:s3] =	ssyncset.done $0x0  }
0x9a: {  	[sflag:s3] =	ssyncadd.s32 $0xFFFFC180  }
0x9b: {  	[hbm4b:s21+s2] =	stream.linear.scatter [tilespmem:s2], [sflag:$0x1], $0x3E80, $0x38;
	[tilespmem:$0x3E80] =	vst v63  }
0x9c: {  	_ =	swait.ge [sflag:s3], $0x3E80  }
0x9d: {  	[sflag:s3] =	ssyncset.done $0x0  }
0x9e: {  	[sflag:s3] =	ssyncadd.s32 $0xFFFFC180  }
0x9f: {  	[tilespmem:s2], [sflag:$0x1] =	stream.linear.gather [hbm4b:s22+s2], $0x3E80, $0x38;
	[tilespmem:$0x3E80] =	vst v63  }
0xa0: {  	_ =	swait.ge [sflag:s3], $0x3E80  }
.Ltmp1:
0xa1: {  	[sflag:s3] =	ssyncset.done $0x0;
	(pc) =	sbr.rel @p0 .LBB2_1-.Ltmp1, $4  }
0xa2: {  	[sflag:s3] =	ssyncadd.s32 $0xFFFFC180  }
0xa3: {  	[hbm4b:s23+s2] =	stream.linear.scatter [tilespmem:s2], [sflag:$0x1], $0x3E80, $0x38;
	[tilespmem:$0x3E80] =	vst v63  }
0xa4: {  	_ =	swait.ge [sflag:s3], $0x3E80  }
0xa5: {  	[sflag:s3] =	ssyncset.done $0x0  }
.LBB2_2:
0xa6: {  	[sflag:s3] =	ssyncadd.s32 $0xFFFFC180  }
0xa7: {  	_ =	sfence.sel $0x180000  }
0xa8: {  	[bflag:$0x0] =	sbarrier.arrive $0xFFFF  }
0xa9: {  	p0 =	sne.s32 s0, $0x0;
	_ =	strace $0x90000047  }
0xaa: {  	s0 =	sadd.s32 @!p0 $0x100000, s1;
	[bflag:$0x2] =	sbarrier.arrive $0xFFFF  }
0xab: {  	[sflag:s0] =	ssyncadd.tile.s32 @!p0 $0x1;
	_ =	shalt  }
.Lfunc_end2:
_tile_overlayer_lowered:
.L_overlay_start_2:
0xac: {  	(tag) =	ssettag $0x2  }
0xad: {  	s0 =	rddreg [dreg:$0x0];
	s2 =	stileid.u32  }
0xae: {  	s1 =	rddreg [dreg:$0x1];
	p0 =	sne.s32 s2, $0x0  }
0xaf: {  	s3 =	rddreg [dreg:$0x2];
	[bflag:$0x3] =	sbarrier.arrive $0xFFFF;
	s2 =	simm.s32 @!p0 $0x1C01  }
0xb0: {  	[timem:s3], [sflag:s2] =	dma.local @!p0 [hbm:s0], s1  }
0xb1: {  	s0 =	simm.s32 @!p0 $0x1  }
0xb2: {  	_ =	swait.ge @!p0 [sflag:s0], s1  }
0xb3: {  	s1 =	ssub.s32 @!p0 $0x0, s1;
	[sflag:s0] =	ssyncset.done @!p0 $0x0  }
0xb4: {  	[sflag:s0] =	ssyncadd.s32 @!p0 s1  }
0xb5: {  	[bflag:$0x3] =	sbarrier.arrive $0xFFFF  }
0xb6: {  	_ =	shalt  }

</sc_bundles>
